<compile_context>
chip_gen: v7x
topology: tpu7x:2x2x1
jax: 0.10.2.dev20260603
libtpu: 0.0.44.dev20260713+nightly
codegen_flags: <defaults>
</compile_context>

<pallas_src>
import functools

import jax
import jax.numpy as jnp
from jax import lax
from jax.experimental import pallas as pl
from jax.experimental.pallas import tpu as pltpu
from jax.experimental.pallas import tpu_sc as plsc

_BATCH = 16384
_D = 100
_HALF = _D // 2
_NW = 32
_MAXF = 4


def _body(xt_hbm, out_hbm, stage, sem_in, sem_out):
    wid = lax.axis_index("s") * 2 + lax.axis_index("c")
    nf = jnp.where(wid < 4, 4, 3)
    j0 = jnp.where(wid < 4, 4 * wid, 16 + 3 * (wid - 4))

    def src_col(i):
        j = j0 + i
        return jnp.where(j < _HALF, 2 * j, 2 * j - (_D - 1))

    for i in range(_MAXF):
        @pl.when(i < nf)
        def _(i=i):
            pltpu.async_copy(xt_hbm.at[src_col(i)], stage.at[i], sem_in.at[i])
    for i in range(_MAXF):
        @pl.when(i < nf)
        def _(i=i):
            pltpu.make_async_copy(xt_hbm.at[0], stage.at[i],
                                  sem_in.at[i]).wait()
            pltpu.async_copy(stage.at[i], out_hbm.at[j0 + i, 0],
                             sem_out.at[i])
    for i in range(_MAXF):
        @pl.when(i < nf)
        def _(i=i):
            pltpu.make_async_copy(stage.at[i], out_hbm.at[0, 0],
                                  sem_out.at[i]).wait()


_sc_permute_rows = functools.partial(
    pl.kernel,
    mesh=plsc.VectorSubcoreMesh(core_axis_name="c", subcore_axis_name="s"),
    out_type=jax.ShapeDtypeStruct((_D, 1, _BATCH), jnp.float32),
    scratch_types=[
        pltpu.VMEM((_MAXF, _BATCH), jnp.float32),
        pltpu.SemaphoreType.DMA((_MAXF,)),
        pltpu.SemaphoreType.DMA((_MAXF,)),
    ],
    compiler_params=pltpu.CompilerParams(
        needs_layout_passes=False, disable_bounds_checks=True),
)(_body)


def kernel(x):
    yt = _sc_permute_rows(x.T)
    return jnp.transpose(yt, (2, 0, 1))

# --- scband reference (transcript-rebuilt; emitter-appended) ---
"""Pipeline reference for scband-basic-embedding-5970004541487 (READ-ONLY COPY).

The authoritative reference and input builder live on the scoring server;
editing this copy changes nothing except your own understanding.
"""

import jax, jax.numpy as jnp
import numpy as np

BATCH = 16384
D_FEAT = 100
INDEX_NUM = list(range(0, 100, 2))
INDEX_CAT = list(range(1, 100, 2))
SORT_INDEX = INDEX_NUM + INDEX_CAT


def setup_inputs(seed: int = 0) -> dict:
    key = jax.random.key(seed)
    x = jax.random.normal(key, (BATCH, D_FEAT), dtype=jnp.float32)
    return {"x": x}


def reference(x):
    # index_sort_func: column permutation gather (index_num first, then index_cat)
    sort_idx = jnp.array(SORT_INDEX, dtype=jnp.int32)
    x = jnp.take(x, sort_idx, axis=1)
    batch = x.shape[0]
    # view(batch, -1, 1): tokenize each feature into a d_token=1 slot
    token = x.reshape(batch, -1, 1)
    # use_index_recover=False, so no recover step
    return token

if __name__ == "__main__":
    import jax
    _d = setup_inputs()
    print(jax.jit(kernel)(*tuple(_d.values())))

</pallas_src>

<mosaic_0001>
#map = affine_map<(d0, d1) -> (0, 0)>
#map1 = affine_map<(d0, d1) -> (0, 0, 0)>
module attributes {stable_mosaic.version = 14 : i64} {
  func.func @_body(%arg0: i32, %arg1: i32, %arg2: memref<100x16384xf32, #tpu.memory_space<hbm>>, %arg3: memref<100x1x16384xf32, #tpu.memory_space<hbm>>, %arg4: memref<4x16384xf32, #tpu.memory_space<vmem>>, %arg5: memref<4x!tpu.dma_semaphore, #tpu.memory_space<semaphore_mem>>, %arg6: memref<4x!tpu.dma_semaphore, #tpu.memory_space<semaphore_mem>>) attributes {dimension_semantics = [#tpu.dimension_semantics<core_parallel>, #tpu.dimension_semantics<subcore_parallel>], iteration_bounds = array<i64: 2, 16>, scalar_prefetch = 0 : i64, scratch_operands = 3 : i64, tpu.core_type = #tpu.core_type<sc_vector_subcore>, window_params = [{transform_indices = #map}, {transform_indices = #map1}]} {
    %mul3A = arith.constant 2 : i32
    %mul3A_0 = arith.muli %arg1, %mul3A : i32
    %add3A = arith.addi %mul3A_0, %arg0 : i32
    %lt3A = arith.constant 4 : i32
    %lt3A_1 = arith.cmpi slt, %add3A, %lt3A : i32
    %jit3A = arith.constant 4 : i32
    %jit3A_2 = arith.constant 3 : i32
    %select_n3A = arith.select %lt3A_1, %jit3A, %jit3A_2 : i32
    %lt3A_3 = arith.constant 4 : i32
    %lt3A_4 = arith.cmpi slt, %add3A, %lt3A_3 : i32
    %mul3A_5 = arith.constant 4 : i32
    %mul3A_6 = arith.muli %mul3A_5, %add3A : i32
    %sub3A = arith.constant 4 : i32
    %sub3A_7 = arith.subi %add3A, %sub3A : i32
    %mul3A_8 = arith.constant 3 : i32
    %mul3A_9 = arith.muli %mul3A_8, %sub3A_7 : i32
    %add3A_10 = arith.constant 16 : i32
    %add3A_11 = arith.addi %add3A_10, %mul3A_9 : i32
    %select_n3A_12 = arith.select %lt3A_4, %mul3A_6, %add3A_11 : i32
    %gt3A = arith.constant 0 : i32
    %gt3A_13 = arith.cmpi sgt, %select_n3A, %gt3A : i32
    %convert_element_type3A = arith.extui %gt3A_13 : i1 to i32
    %cond3A = arith.constant 0 : i32
    %cond3A_14 = arith.cmpi ne, %convert_element_type3A, %cond3A : i32
    scf.if %cond3A_14 {
      %add3A_70 = arith.constant 0 : i32
      %add3A_71 = arith.addi %select_n3A_12, %add3A_70 : i32
      %lt3A_72 = arith.constant 50 : i32
      %lt3A_73 = arith.cmpi slt, %add3A_71, %lt3A_72 : i32
      %mul3A_74 = arith.constant 2 : i32
      %mul3A_75 = arith.muli %mul3A_74, %add3A_71 : i32
      %mul3A_76 = arith.constant 2 : i32
      %mul3A_77 = arith.muli %mul3A_76, %add3A_71 : i32
      %sub3A_78 = arith.constant 99 : i32
      %sub3A_79 = arith.subi %mul3A_77, %sub3A_78 : i32
      %select_n3A_80 = arith.select %lt3A_73, %mul3A_75, %sub3A_79 : i32
      %dma_start3A = arith.constant 0 : i32
      %dma_start3A_81 = arith.constant 0 : i32
      %dma_start3A_82 = arith.constant 0 : i32
      %dma_start3A_83 = tpu.memref_slice %arg4[%dma_start3A, %dma_start3A_82] : memref<4x16384xf32, #tpu.memory_space<vmem>> -> memref<1x16384xf32, #tpu.memory_space<vmem>>
      %dma_start3A_84 = tpu.memref_squeeze %dma_start3A_83 : memref<1x16384xf32, #tpu.memory_space<vmem>> -> memref<16384xf32, #tpu.memory_space<vmem>>
      %dma_start3A_85 = arith.constant 0 : i32
      %dma_start3A_86 = tpu.memref_slice %arg2[%select_n3A_80, %dma_start3A_85] : memref<100x16384xf32, #tpu.memory_space<hbm>> -> memref<1x16384xf32, #tpu.memory_space<hbm>>
      %dma_start3A_87 = tpu.memref_squeeze %dma_start3A_86 : memref<1x16384xf32, #tpu.memory_space<hbm>> -> memref<16384xf32, #tpu.memory_space<hbm>>
      %dma_start3A_88 = tpu.memref_slice %arg5[%dma_start3A_81] : memref<4x!tpu.dma_semaphore, #tpu.memory_space<semaphore_mem>> -> memref<1x!tpu.dma_semaphore, #tpu.memory_space<semaphore_mem>>
      %dma_start3A_89 = tpu.memref_squeeze %dma_start3A_88 : memref<1x!tpu.dma_semaphore, #tpu.memory_space<semaphore_mem>> -> memref<!tpu.dma_semaphore, #tpu.memory_space<semaphore_mem>>
      %dma_start3A_90 = arith.constant 0 : i32
      %dma_start3A_91 = tpu.memref_slice %arg4[%dma_start3A, %dma_start3A_90] : memref<4x16384xf32, #tpu.memory_space<vmem>> -> memref<1x16384xf32, #tpu.memory_space<vmem>>
      %dma_start3A_92 = tpu.memref_squeeze %dma_start3A_91 : memref<1x16384xf32, #tpu.memory_space<vmem>> -> memref<16384xf32, #tpu.memory_space<vmem>>
      %dma_start3A_93 = arith.constant 0 : i32
      %dma_start3A_94 = tpu.memref_slice %arg2[%select_n3A_80, %dma_start3A_93] : memref<100x16384xf32, #tpu.memory_space<hbm>> -> memref<1x16384xf32, #tpu.memory_space<hbm>>
      %dma_start3A_95 = tpu.memref_squeeze %dma_start3A_94 : memref<1x16384xf32, #tpu.memory_space<hbm>> -> memref<16384xf32, #tpu.memory_space<hbm>>
      tpu.enqueue_dma source(%dma_start3A_95 : memref<16384xf32, #tpu.memory_space<hbm>>) target(%dma_start3A_92 : memref<16384xf32, #tpu.memory_space<vmem>>) target_semaphore(%dma_start3A_89 : memref<!tpu.dma_semaphore, #tpu.memory_space<semaphore_mem>>)
    } else {
    }
    %gt3A_15 = arith.constant 1 : i32
    %gt3A_16 = arith.cmpi sgt, %select_n3A, %gt3A_15 : i32
    %convert_element_type3A_17 = arith.extui %gt3A_16 : i1 to i32
    %cond3A_18 = arith.constant 0 : i32
    %cond3A_19 = arith.cmpi ne, %convert_element_type3A_17, %cond3A_18 : i32
    scf.if %cond3A_19 {
      %add3A_70 = arith.constant 1 : i32
      %add3A_71 = arith.addi %select_n3A_12, %add3A_70 : i32
      %lt3A_72 = arith.constant 50 : i32
      %lt3A_73 = arith.cmpi slt, %add3A_71, %lt3A_72 : i32
      %mul3A_74 = arith.constant 2 : i32
      %mul3A_75 = arith.muli %mul3A_74, %add3A_71 : i32
      %mul3A_76 = arith.constant 2 : i32
      %mul3A_77 = arith.muli %mul3A_76, %add3A_71 : i32
      %sub3A_78 = arith.constant 99 : i32
      %sub3A_79 = arith.subi %mul3A_77, %sub3A_78 : i32
      %select_n3A_80 = arith.select %lt3A_73, %mul3A_75, %sub3A_79 : i32
      %dma_start3A = arith.constant 1 : i32
      %dma_start3A_81 = arith.constant 1 : i32
      %dma_start3A_82 = arith.constant 0 : i32
      %dma_start3A_83 = tpu.memref_slice %arg4[%dma_start3A, %dma_start3A_82] : memref<4x16384xf32, #tpu.memory_space<vmem>> -> memref<1x16384xf32, #tpu.memory_space<vmem>>
      %dma_start3A_84 = tpu.memref_squeeze %dma_start3A_83 : memref<1x16384xf32, #tpu.memory_space<vmem>> -> memref<16384xf32, #tpu.memory_space<vmem>>
      %dma_start3A_85 = arith.constant 0 : i32
      %dma_start3A_86 = tpu.memref_slice %arg2[%select_n3A_80, %dma_start3A_85] : memref<100x16384xf32, #tpu.memory_space<hbm>> -> memref<1x16384xf32, #tpu.memory_space<hbm>>
      %dma_start3A_87 = tpu.memref_squeeze %dma_start3A_86 : memref<1x16384xf32, #tpu.memory_space<hbm>> -> memref<16384xf32, #tpu.memory_space<hbm>>
      %dma_start3A_88 = tpu.memref_slice %arg5[%dma_start3A_81] : memref<4x!tpu.dma_semaphore, #tpu.memory_space<semaphore_mem>> -> memref<1x!tpu.dma_semaphore, #tpu.memory_space<semaphore_mem>>
      %dma_start3A_89 = tpu.memref_squeeze %dma_start3A_88 : memref<1x!tpu.dma_semaphore, #tpu.memory_space<semaphore_mem>> -> memref<!tpu.dma_semaphore, #tpu.memory_space<semaphore_mem>>
      %dma_start3A_90 = arith.constant 0 : i32
      %dma_start3A_91 = tpu.memref_slice %arg4[%dma_start3A, %dma_start3A_90] : memref<4x16384xf32, #tpu.memory_space<vmem>> -> memref<1x16384xf32, #tpu.memory_space<vmem>>
      %dma_start3A_92 = tpu.memref_squeeze %dma_start3A_91 : memref<1x16384xf32, #tpu.memory_space<vmem>> -> memref<16384xf32, #tpu.memory_space<vmem>>
      %dma_start3A_93 = arith.constant 0 : i32
      %dma_start3A_94 = tpu.memref_slice %arg2[%select_n3A_80, %dma_start3A_93] : memref<100x16384xf32, #tpu.memory_space<hbm>> -> memref<1x16384xf32, #tpu.memory_space<hbm>>
      %dma_start3A_95 = tpu.memref_squeeze %dma_start3A_94 : memref<1x16384xf32, #tpu.memory_space<hbm>> -> memref<16384xf32, #tpu.memory_space<hbm>>
      tpu.enqueue_dma source(%dma_start3A_95 : memref<16384xf32, #tpu.memory_space<hbm>>) target(%dma_start3A_92 : memref<16384xf32, #tpu.memory_space<vmem>>) target_semaphore(%dma_start3A_89 : memref<!tpu.dma_semaphore, #tpu.memory_space<semaphore_mem>>)
    } else {
    }
    %gt3A_20 = arith.constant 2 : i32
    %gt3A_21 = arith.cmpi sgt, %select_n3A, %gt3A_20 : i32
    %convert_element_type3A_22 = arith.extui %gt3A_21 : i1 to i32
    %cond3A_23 = arith.constant 0 : i32
    %cond3A_24 = arith.cmpi ne, %convert_element_type3A_22, %cond3A_23 : i32
    scf.if %cond3A_24 {
      %add3A_70 = arith.constant 2 : i32
      %add3A_71 = arith.addi %select_n3A_12, %add3A_70 : i32
      %lt3A_72 = arith.constant 50 : i32
      %lt3A_73 = arith.cmpi slt, %add3A_71, %lt3A_72 : i32
      %mul3A_74 = arith.constant 2 : i32
      %mul3A_75 = arith.muli %mul3A_74, %add3A_71 : i32
      %mul3A_76 = arith.constant 2 : i32
      %mul3A_77 = arith.muli %mul3A_76, %add3A_71 : i32
      %sub3A_78 = arith.constant 99 : i32
      %sub3A_79 = arith.subi %mul3A_77, %sub3A_78 : i32
      %select_n3A_80 = arith.select %lt3A_73, %mul3A_75, %sub3A_79 : i32
      %dma_start3A = arith.constant 2 : i32
      %dma_start3A_81 = arith.constant 2 : i32
      %dma_start3A_82 = arith.constant 0 : i32
      %dma_start3A_83 = tpu.memref_slice %arg4[%dma_start3A, %dma_start3A_82] : memref<4x16384xf32, #tpu.memory_space<vmem>> -> memref<1x16384xf32, #tpu.memory_space<vmem>>
      %dma_start3A_84 = tpu.memref_squeeze %dma_start3A_83 : memref<1x16384xf32, #tpu.memory_space<vmem>> -> memref<16384xf32, #tpu.memory_space<vmem>>
      %dma_start3A_85 = arith.constant 0 : i32
      %dma_start3A_86 = tpu.memref_slice %arg2[%select_n3A_80, %dma_start3A_85] : memref<100x16384xf32, #tpu.memory_space<hbm>> -> memref<1x16384xf32, #tpu.memory_space<hbm>>
      %dma_start3A_87 = tpu.memref_squeeze %dma_start3A_86 : memref<1x16384xf32, #tpu.memory_space<hbm>> -> memref<16384xf32, #tpu.memory_space<hbm>>
      %dma_start3A_88 = tpu.memref_slice %arg5[%dma_start3A_81] : memref<4x!tpu.dma_semaphore, #tpu.memory_space<semaphore_mem>> -> memref<1x!tpu.dma_semaphore, #tpu.memory_space<semaphore_mem>>
      %dma_start3A_89 = tpu.memref_squeeze %dma_start3A_88 : memref<1x!tpu.dma_semaphore, #tpu.memory_space<semaphore_mem>> -> memref<!tpu.dma_semaphore, #tpu.memory_space<semaphore_mem>>
      %dma_start3A_90 = arith.constant 0 : i32
      %dma_start3A_91 = tpu.memref_slice %arg4[%dma_start3A, %dma_start3A_90] : memref<4x16384xf32, #tpu.memory_space<vmem>> -> memref<1x16384xf32, #tpu.memory_space<vmem>>
      %dma_start3A_92 = tpu.memref_squeeze %dma_start3A_91 : memref<1x16384xf32, #tpu.memory_space<vmem>> -> memref<16384xf32, #tpu.memory_space<vmem>>
      %dma_start3A_93 = arith.constant 0 : i32
      %dma_start3A_94 = tpu.memref_slice %arg2[%select_n3A_80, %dma_start3A_93] : memref<100x16384xf32, #tpu.memory_space<hbm>> -> memref<1x16384xf32, #tpu.memory_space<hbm>>
      %dma_start3A_95 = tpu.memref_squeeze %dma_start3A_94 : memref<1x16384xf32, #tpu.memory_space<hbm>> -> memref<16384xf32, #tpu.memory_space<hbm>>
      tpu.enqueue_dma source(%dma_start3A_95 : memref<16384xf32, #tpu.memory_space<hbm>>) target(%dma_start3A_92 : memref<16384xf32, #tpu.memory_space<vmem>>) target_semaphore(%dma_start3A_89 : memref<!tpu.dma_semaphore, #tpu.memory_space<semaphore_mem>>)
    } else {
    }
    %gt3A_25 = arith.constant 3 : i32
    %gt3A_26 = arith.cmpi sgt, %select_n3A, %gt3A_25 : i32
    %convert_element_type3A_27 = arith.extui %gt3A_26 : i1 to i32
    %cond3A_28 = arith.constant 0 : i32
    %cond3A_29 = arith.cmpi ne, %convert_element_type3A_27, %cond3A_28 : i32
    scf.if %cond3A_29 {
      %add3A_70 = arith.constant 3 : i32
      %add3A_71 = arith.addi %select_n3A_12, %add3A_70 : i32
      %lt3A_72 = arith.constant 50 : i32
      %lt3A_73 = arith.cmpi slt, %add3A_71, %lt3A_72 : i32
      %mul3A_74 = arith.constant 2 : i32
      %mul3A_75 = arith.muli %mul3A_74, %add3A_71 : i32
      %mul3A_76 = arith.constant 2 : i32
      %mul3A_77 = arith.muli %mul3A_76, %add3A_71 : i32
      %sub3A_78 = arith.constant 99 : i32
      %sub3A_79 = arith.subi %mul3A_77, %sub3A_78 : i32
      %select_n3A_80 = arith.select %lt3A_73, %mul3A_75, %sub3A_79 : i32
      %dma_start3A = arith.constant 3 : i32
      %dma_start3A_81 = arith.constant 3 : i32
      %dma_start3A_82 = arith.constant 0 : i32
      %dma_start3A_83 = tpu.memref_slice %arg4[%dma_start3A, %dma_start3A_82] : memref<4x16384xf32, #tpu.memory_space<vmem>> -> memref<1x16384xf32, #tpu.memory_space<vmem>>
      %dma_start3A_84 = tpu.memref_squeeze %dma_start3A_83 : memref<1x16384xf32, #tpu.memory_space<vmem>> -> memref<16384xf32, #tpu.memory_space<vmem>>
      %dma_start3A_85 = arith.constant 0 : i32
      %dma_start3A_86 = tpu.memref_slice %arg2[%select_n3A_80, %dma_start3A_85] : memref<100x16384xf32, #tpu.memory_space<hbm>> -> memref<1x16384xf32, #tpu.memory_space<hbm>>
      %dma_start3A_87 = tpu.memref_squeeze %dma_start3A_86 : memref<1x16384xf32, #tpu.memory_space<hbm>> -> memref<16384xf32, #tpu.memory_space<hbm>>
      %dma_start3A_88 = tpu.memref_slice %arg5[%dma_start3A_81] : memref<4x!tpu.dma_semaphore, #tpu.memory_space<semaphore_mem>> -> memref<1x!tpu.dma_semaphore, #tpu.memory_space<semaphore_mem>>
      %dma_start3A_89 = tpu.memref_squeeze %dma_start3A_88 : memref<1x!tpu.dma_semaphore, #tpu.memory_space<semaphore_mem>> -> memref<!tpu.dma_semaphore, #tpu.memory_space<semaphore_mem>>
      %dma_start3A_90 = arith.constant 0 : i32
      %dma_start3A_91 = tpu.memref_slice %arg4[%dma_start3A, %dma_start3A_90] : memref<4x16384xf32, #tpu.memory_space<vmem>> -> memref<1x16384xf32, #tpu.memory_space<vmem>>
      %dma_start3A_92 = tpu.memref_squeeze %dma_start3A_91 : memref<1x16384xf32, #tpu.memory_space<vmem>> -> memref<16384xf32, #tpu.memory_space<vmem>>
      %dma_start3A_93 = arith.constant 0 : i32
      %dma_start3A_94 = tpu.memref_slice %arg2[%select_n3A_80, %dma_start3A_93] : memref<100x16384xf32, #tpu.memory_space<hbm>> -> memref<1x16384xf32, #tpu.memory_space<hbm>>
      %dma_start3A_95 = tpu.memref_squeeze %dma_start3A_94 : memref<1x16384xf32, #tpu.memory_space<hbm>> -> memref<16384xf32, #tpu.memory_space<hbm>>
      tpu.enqueue_dma source(%dma_start3A_95 : memref<16384xf32, #tpu.memory_space<hbm>>) target(%dma_start3A_92 : memref<16384xf32, #tpu.memory_space<vmem>>) target_semaphore(%dma_start3A_89 : memref<!tpu.dma_semaphore, #tpu.memory_space<semaphore_mem>>)
    } else {
    }
    %gt3A_30 = arith.constant 0 : i32
    %gt3A_31 = arith.cmpi sgt, %select_n3A, %gt3A_30 : i32
    %convert_element_type3A_32 = arith.extui %gt3A_31 : i1 to i32
    %cond3A_33 = arith.constant 0 : i32
    %cond3A_34 = arith.cmpi ne, %convert_element_type3A_32, %cond3A_33 : i32
    scf.if %cond3A_34 {
      %dma_wait3A = arith.constant 0 : i32
      %dma_wait3A_70 = arith.constant 0 : i32
      %dma_wait3A_71 = arith.constant 0 : i32
      %dma_wait3A_72 = arith.constant 0 : i32
      %dma_wait3A_73 = tpu.memref_slice %arg4[%dma_wait3A_70, %dma_wait3A_72] : memref<4x16384xf32, #tpu.memory_space<vmem>> -> memref<1x16384xf32, #tpu.memory_space<vmem>>
      %dma_wait3A_74 = tpu.memref_squeeze %dma_wait3A_73 : memref<1x16384xf32, #tpu.memory_space<vmem>> -> memref<16384xf32, #tpu.memory_space<vmem>>
      %dma_wait3A_75 = arith.constant 0 : i32
      %dma_wait3A_76 = tpu.memref_slice %arg2[%dma_wait3A, %dma_wait3A_75] : memref<100x16384xf32, #tpu.memory_space<hbm>> -> memref<1x16384xf32, #tpu.memory_space<hbm>>
      %dma_wait3A_77 = tpu.memref_squeeze %dma_wait3A_76 : memref<1x16384xf32, #tpu.memory_space<hbm>> -> memref<16384xf32, #tpu.memory_space<hbm>>
      %dma_wait3A_78 = tpu.memref_slice %arg5[%dma_wait3A_71] : memref<4x!tpu.dma_semaphore, #tpu.memory_space<semaphore_mem>> -> memref<1x!tpu.dma_semaphore, #tpu.memory_space<semaphore_mem>>
      %dma_wait3A_79 = tpu.memref_squeeze %dma_wait3A_78 : memref<1x!tpu.dma_semaphore, #tpu.memory_space<semaphore_mem>> -> memref<!tpu.dma_semaphore, #tpu.memory_space<semaphore_mem>>
      %dma_wait3A_80 = arith.constant 0 : i32
      %dma_wait3A_81 = tpu.memref_slice %arg4[%dma_wait3A_70, %dma_wait3A_80] : memref<4x16384xf32, #tpu.memory_space<vmem>> -> memref<1x16384xf32, #tpu.memory_space<vmem>>
      %dma_wait3A_82 = tpu.memref_squeeze %dma_wait3A_81 : memref<1x16384xf32, #tpu.memory_space<vmem>> -> memref<16384xf32, #tpu.memory_space<vmem>>
      %dma_wait3A_83 = arith.constant 0 : i32
      %dma_wait3A_84 = tpu.memref_slice %arg2[%dma_wait3A, %dma_wait3A_83] : memref<100x16384xf32, #tpu.memory_space<hbm>> -> memref<1x16384xf32, #tpu.memory_space<hbm>>
      %dma_wait3A_85 = tpu.memref_squeeze %dma_wait3A_84 : memref<1x16384xf32, #tpu.memory_space<hbm>> -> memref<16384xf32, #tpu.memory_space<hbm>>
      tpu.wait_dma2 semaphore(%dma_wait3A_79 : memref<!tpu.dma_semaphore, #tpu.memory_space<semaphore_mem>>) src(%dma_wait3A_85 : memref<16384xf32, #tpu.memory_space<hbm>>) dst(%dma_wait3A_82 : memref<16384xf32, #tpu.memory_space<vmem>>)
      %add3A_86 = arith.constant 0 : i32
      %add3A_87 = arith.addi %select_n3A_12, %add3A_86 : i32
      %dma_start3A = arith.constant 0 : i32
      %dma_start3A_88 = arith.constant 0 : i32
      %dma_start3A_89 = arith.constant 0 : i32
      %dma_start3A_90 = arith.constant 0 : i32
      %dma_start3A_91 = tpu.memref_slice %arg4[%dma_start3A, %dma_start3A_90] : memref<4x16384xf32, #tpu.memory_space<vmem>> -> memref<1x16384xf32, #tpu.memory_space<vmem>>
      %dma_start3A_92 = tpu.memref_squeeze %dma_start3A_91 : memref<1x16384xf32, #tpu.memory_space<vmem>> -> memref<16384xf32, #tpu.memory_space<vmem>>
      %dma_start3A_93 = arith.constant 0 : i32
      %dma_start3A_94 = tpu.memref_slice %arg3[%add3A_87, %dma_start3A_88, %dma_start3A_93] : memref<100x1x16384xf32, #tpu.memory_space<hbm>> -> memref<1x1x16384xf32, #tpu.memory_space<hbm>>
      %dma_start3A_95 = tpu.memref_squeeze %dma_start3A_94 : memref<1x1x16384xf32, #tpu.memory_space<hbm>> -> memref<16384xf32, #tpu.memory_space<hbm>>
      %dma_start3A_96 = tpu.memref_slice %arg6[%dma_start3A_89] : memref<4x!tpu.dma_semaphore, #tpu.memory_space<semaphore_mem>> -> memref<1x!tpu.dma_semaphore, #tpu.memory_space<semaphore_mem>>
      %dma_start3A_97 = tpu.memref_squeeze %dma_start3A_96 : memref<1x!tpu.dma_semaphore, #tpu.memory_space<semaphore_mem>> -> memref<!tpu.dma_semaphore, #tpu.memory_space<semaphore_mem>>
      %dma_start3A_98 = arith.constant 0 : i32
      %dma_start3A_99 = tpu.memref_slice %arg3[%add3A_87, %dma_start3A_88, %dma_start3A_98] : memref<100x1x16384xf32, #tpu.memory_space<hbm>> -> memref<1x1x16384xf32, #tpu.memory_space<hbm>>
      %dma_start3A_100 = tpu.memref_squeeze %dma_start3A_99 : memref<1x1x16384xf32, #tpu.memory_space<hbm>> -> memref<16384xf32, #tpu.memory_space<hbm>>
      %dma_start3A_101 = arith.constant 0 : i32
      %dma_start3A_102 = tpu.memref_slice %arg4[%dma_start3A, %dma_start3A_101] : memref<4x16384xf32, #tpu.memory_space<vmem>> -> memref<1x16384xf32, #tpu.memory_space<vmem>>
      %dma_start3A_103 = tpu.memref_squeeze %dma_start3A_102 : memref<1x16384xf32, #tpu.memory_space<vmem>> -> memref<16384xf32, #tpu.memory_space<vmem>>
      tpu.enqueue_dma source(%dma_start3A_103 : memref<16384xf32, #tpu.memory_space<vmem>>) target(%dma_start3A_100 : memref<16384xf32, #tpu.memory_space<hbm>>) target_semaphore(%dma_start3A_97 : memref<!tpu.dma_semaphore, #tpu.memory_space<semaphore_mem>>)
    } else {
    }
    %gt3A_35 = arith.constant 1 : i32
    %gt3A_36 = arith.cmpi sgt, %select_n3A, %gt3A_35 : i32
    %convert_element_type3A_37 = arith.extui %gt3A_36 : i1 to i32
    %cond3A_38 = arith.constant 0 : i32
    %cond3A_39 = arith.cmpi ne, %convert_element_type3A_37, %cond3A_38 : i32
    scf.if %cond3A_39 {
      %dma_wait3A = arith.constant 0 : i32
      %dma_wait3A_70 = arith.constant 1 : i32
      %dma_wait3A_71 = arith.constant 1 : i32
      %dma_wait3A_72 = arith.constant 0 : i32
      %dma_wait3A_73 = tpu.memref_slice %arg4[%dma_wait3A_70, %dma_wait3A_72] : memref<4x16384xf32, #tpu.memory_space<vmem>> -> memref<1x16384xf32, #tpu.memory_space<vmem>>
      %dma_wait3A_74 = tpu.memref_squeeze %dma_wait3A_73 : memref<1x16384xf32, #tpu.memory_space<vmem>> -> memref<16384xf32, #tpu.memory_space<vmem>>
      %dma_wait3A_75 = arith.constant 0 : i32
      %dma_wait3A_76 = tpu.memref_slice %arg2[%dma_wait3A, %dma_wait3A_75] : memref<100x16384xf32, #tpu.memory_space<hbm>> -> memref<1x16384xf32, #tpu.memory_space<hbm>>
      %dma_wait3A_77 = tpu.memref_squeeze %dma_wait3A_76 : memref<1x16384xf32, #tpu.memory_space<hbm>> -> memref<16384xf32, #tpu.memory_space<hbm>>
      %dma_wait3A_78 = tpu.memref_slice %arg5[%dma_wait3A_71] : memref<4x!tpu.dma_semaphore, #tpu.memory_space<semaphore_mem>> -> memref<1x!tpu.dma_semaphore, #tpu.memory_space<semaphore_mem>>
      %dma_wait3A_79 = tpu.memref_squeeze %dma_wait3A_78 : memref<1x!tpu.dma_semaphore, #tpu.memory_space<semaphore_mem>> -> memref<!tpu.dma_semaphore, #tpu.memory_space<semaphore_mem>>
      %dma_wait3A_80 = arith.constant 0 : i32
      %dma_wait3A_81 = tpu.memref_slice %arg4[%dma_wait3A_70, %dma_wait3A_80] : memref<4x16384xf32, #tpu.memory_space<vmem>> -> memref<1x16384xf32, #tpu.memory_space<vmem>>
      %dma_wait3A_82 = tpu.memref_squeeze %dma_wait3A_81 : memref<1x16384xf32, #tpu.memory_space<vmem>> -> memref<16384xf32, #tpu.memory_space<vmem>>
      %dma_wait3A_83 = arith.constant 0 : i32
      %dma_wait3A_84 = tpu.memref_slice %arg2[%dma_wait3A, %dma_wait3A_83] : memref<100x16384xf32, #tpu.memory_space<hbm>> -> memref<1x16384xf32, #tpu.memory_space<hbm>>
      %dma_wait3A_85 = tpu.memref_squeeze %dma_wait3A_84 : memref<1x16384xf32, #tpu.memory_space<hbm>> -> memref<16384xf32, #tpu.memory_space<hbm>>
      tpu.wait_dma2 semaphore(%dma_wait3A_79 : memref<!tpu.dma_semaphore, #tpu.memory_space<semaphore_mem>>) src(%dma_wait3A_85 : memref<16384xf32, #tpu.memory_space<hbm>>) dst(%dma_wait3A_82 : memref<16384xf32, #tpu.memory_space<vmem>>)
      %add3A_86 = arith.constant 1 : i32
      %add3A_87 = arith.addi %select_n3A_12, %add3A_86 : i32
      %dma_start3A = arith.constant 1 : i32
      %dma_start3A_88 = arith.constant 0 : i32
      %dma_start3A_89 = arith.constant 1 : i32
      %dma_start3A_90 = arith.constant 0 : i32
      %dma_start3A_91 = tpu.memref_slice %arg4[%dma_start3A, %dma_start3A_90] : memref<4x16384xf32, #tpu.memory_space<vmem>> -> memref<1x16384xf32, #tpu.memory_space<vmem>>
      %dma_start3A_92 = tpu.memref_squeeze %dma_start3A_91 : memref<1x16384xf32, #tpu.memory_space<vmem>> -> memref<16384xf32, #tpu.memory_space<vmem>>
      %dma_start3A_93 = arith.constant 0 : i32
      %dma_start3A_94 = tpu.memref_slice %arg3[%add3A_87, %dma_start3A_88, %dma_start3A_93] : memref<100x1x16384xf32, #tpu.memory_space<hbm>> -> memref<1x1x16384xf32, #tpu.memory_space<hbm>>
      %dma_start3A_95 = tpu.memref_squeeze %dma_start3A_94 : memref<1x1x16384xf32, #tpu.memory_space<hbm>> -> memref<16384xf32, #tpu.memory_space<hbm>>
      %dma_start3A_96 = tpu.memref_slice %arg6[%dma_start3A_89] : memref<4x!tpu.dma_semaphore, #tpu.memory_space<semaphore_mem>> -> memref<1x!tpu.dma_semaphore, #tpu.memory_space<semaphore_mem>>
      %dma_start3A_97 = tpu.memref_squeeze %dma_start3A_96 : memref<1x!tpu.dma_semaphore, #tpu.memory_space<semaphore_mem>> -> memref<!tpu.dma_semaphore, #tpu.memory_space<semaphore_mem>>
      %dma_start3A_98 = arith.constant 0 : i32
      %dma_start3A_99 = tpu.memref_slice %arg3[%add3A_87, %dma_start3A_88, %dma_start3A_98] : memref<100x1x16384xf32, #tpu.memory_space<hbm>> -> memref<1x1x16384xf32, #tpu.memory_space<hbm>>
      %dma_start3A_100 = tpu.memref_squeeze %dma_start3A_99 : memref<1x1x16384xf32, #tpu.memory_space<hbm>> -> memref<16384xf32, #tpu.memory_space<hbm>>
      %dma_start3A_101 = arith.constant 0 : i32
      %dma_start3A_102 = tpu.memref_slice %arg4[%dma_start3A, %dma_start3A_101] : memref<4x16384xf32, #tpu.memory_space<vmem>> -> memref<1x16384xf32, #tpu.memory_space<vmem>>
      %dma_start3A_103 = tpu.memref_squeeze %dma_start3A_102 : memref<1x16384xf32, #tpu.memory_space<vmem>> -> memref<16384xf32, #tpu.memory_space<vmem>>
      tpu.enqueue_dma source(%dma_start3A_103 : memref<16384xf32, #tpu.memory_space<vmem>>) target(%dma_start3A_100 : memref<16384xf32, #tpu.memory_space<hbm>>) target_semaphore(%dma_start3A_97 : memref<!tpu.dma_semaphore, #tpu.memory_space<semaphore_mem>>)
    } else {
    }
    %gt3A_40 = arith.constant 2 : i32
    %gt3A_41 = arith.cmpi sgt, %select_n3A, %gt3A_40 : i32
    %convert_element_type3A_42 = arith.extui %gt3A_41 : i1 to i32
    %cond3A_43 = arith.constant 0 : i32
    %cond3A_44 = arith.cmpi ne, %convert_element_type3A_42, %cond3A_43 : i32
    scf.if %cond3A_44 {
      %dma_wait3A = arith.constant 0 : i32
      %dma_wait3A_70 = arith.constant 2 : i32
      %dma_wait3A_71 = arith.constant 2 : i32
      %dma_wait3A_72 = arith.constant 0 : i32
      %dma_wait3A_73 = tpu.memref_slice %arg4[%dma_wait3A_70, %dma_wait3A_72] : memref<4x16384xf32, #tpu.memory_space<vmem>> -> memref<1x16384xf32, #tpu.memory_space<vmem>>
      %dma_wait3A_74 = tpu.memref_squeeze %dma_wait3A_73 : memref<1x16384xf32, #tpu.memory_space<vmem>> -> memref<16384xf32, #tpu.memory_space<vmem>>
      %dma_wait3A_75 = arith.constant 0 : i32
      %dma_wait3A_76 = tpu.memref_slice %arg2[%dma_wait3A, %dma_wait3A_75] : memref<100x16384xf32, #tpu.memory_space<hbm>> -> memref<1x16384xf32, #tpu.memory_space<hbm>>
      %dma_wait3A_77 = tpu.memref_squeeze %dma_wait3A_76 : memref<1x16384xf32, #tpu.memory_space<hbm>> -> memref<16384xf32, #tpu.memory_space<hbm>>
      %dma_wait3A_78 = tpu.memref_slice %arg5[%dma_wait3A_71] : memref<4x!tpu.dma_semaphore, #tpu.memory_space<semaphore_mem>> -> memref<1x!tpu.dma_semaphore, #tpu.memory_space<semaphore_mem>>
      %dma_wait3A_79 = tpu.memref_squeeze %dma_wait3A_78 : memref<1x!tpu.dma_semaphore, #tpu.memory_space<semaphore_mem>> -> memref<!tpu.dma_semaphore, #tpu.memory_space<semaphore_mem>>
      %dma_wait3A_80 = arith.constant 0 : i32
      %dma_wait3A_81 = tpu.memref_slice %arg4[%dma_wait3A_70, %dma_wait3A_80] : memref<4x16384xf32, #tpu.memory_space<vmem>> -> memref<1x16384xf32, #tpu.memory_space<vmem>>
      %dma_wait3A_82 = tpu.memref_squeeze %dma_wait3A_81 : memref<1x16384xf32, #tpu.memory_space<vmem>> -> memref<16384xf32, #tpu.memory_space<vmem>>
      %dma_wait3A_83 = arith.constant 0 : i32
      %dma_wait3A_84 = tpu.memref_slice %arg2[%dma_wait3A, %dma_wait3A_83] : memref<100x16384xf32, #tpu.memory_space<hbm>> -> memref<1x16384xf32, #tpu.memory_space<hbm>>
      %dma_wait3A_85 = tpu.memref_squeeze %dma_wait3A_84 : memref<1x16384xf32, #tpu.memory_space<hbm>> -> memref<16384xf32, #tpu.memory_space<hbm>>
      tpu.wait_dma2 semaphore(%dma_wait3A_79 : memref<!tpu.dma_semaphore, #tpu.memory_space<semaphore_mem>>) src(%dma_wait3A_85 : memref<16384xf32, #tpu.memory_space<hbm>>) dst(%dma_wait3A_82 : memref<16384xf32, #tpu.memory_space<vmem>>)
      %add3A_86 = arith.constant 2 : i32
      %add3A_87 = arith.addi %select_n3A_12, %add3A_86 : i32
      %dma_start3A = arith.constant 2 : i32
      %dma_start3A_88 = arith.constant 0 : i32
      %dma_start3A_89 = arith.constant 2 : i32
      %dma_start3A_90 = arith.constant 0 : i32
      %dma_start3A_91 = tpu.memref_slice %arg4[%dma_start3A, %dma_start3A_90] : memref<4x16384xf32, #tpu.memory_space<vmem>> -> memref<1x16384xf32, #tpu.memory_space<vmem>>
      %dma_start3A_92 = tpu.memref_squeeze %dma_start3A_91 : memref<1x16384xf32, #tpu.memory_space<vmem>> -> memref<16384xf32, #tpu.memory_space<vmem>>
      %dma_start3A_93 = arith.constant 0 : i32
      %dma_start3A_94 = tpu.memref_slice %arg3[%add3A_87, %dma_start3A_88, %dma_start3A_93] : memref<100x1x16384xf32, #tpu.memory_space<hbm>> -> memref<1x1x16384xf32, #tpu.memory_space<hbm>>
      %dma_start3A_95 = tpu.memref_squeeze %dma_start3A_94 : memref<1x1x16384xf32, #tpu.memory_space<hbm>> -> memref<16384xf32, #tpu.memory_space<hbm>>
      %dma_start3A_96 = tpu.memref_slice %arg6[%dma_start3A_89] : memref<4x!tpu.dma_semaphore, #tpu.memory_space<semaphore_mem>> -> memref<1x!tpu.dma_semaphore, #tpu.memory_space<semaphore_mem>>
      %dma_start3A_97 = tpu.memref_squeeze %dma_start3A_96 : memref<1x!tpu.dma_semaphore, #tpu.memory_space<semaphore_mem>> -> memref<!tpu.dma_semaphore, #tpu.memory_space<semaphore_mem>>
      %dma_start3A_98 = arith.constant 0 : i32
      %dma_start3A_99 = tpu.memref_slice %arg3[%add3A_87, %dma_start3A_88, %dma_start3A_98] : memref<100x1x16384xf32, #tpu.memory_space<hbm>> -> memref<1x1x16384xf32, #tpu.memory_space<hbm>>
      %dma_start3A_100 = tpu.memref_squeeze %dma_start3A_99 : memref<1x1x16384xf32, #tpu.memory_space<hbm>> -> memref<16384xf32, #tpu.memory_space<hbm>>
      %dma_start3A_101 = arith.constant 0 : i32
      %dma_start3A_102 = tpu.memref_slice %arg4[%dma_start3A, %dma_start3A_101] : memref<4x16384xf32, #tpu.memory_space<vmem>> -> memref<1x16384xf32, #tpu.memory_space<vmem>>
      %dma_start3A_103 = tpu.memref_squeeze %dma_start3A_102 : memref<1x16384xf32, #tpu.memory_space<vmem>> -> memref<16384xf32, #tpu.memory_space<vmem>>
      tpu.enqueue_dma source(%dma_start3A_103 : memref<16384xf32, #tpu.memory_space<vmem>>) target(%dma_start3A_100 : memref<16384xf32, #tpu.memory_space<hbm>>) target_semaphore(%dma_start3A_97 : memref<!tpu.dma_semaphore, #tpu.memory_space<semaphore_mem>>)
    } else {
    }
    %gt3A_45 = arith.constant 3 : i32
    %gt3A_46 = arith.cmpi sgt, %select_n3A, %gt3A_45 : i32
    %convert_element_type3A_47 = arith.extui %gt3A_46 : i1 to i32
    %cond3A_48 = arith.constant 0 : i32
    %cond3A_49 = arith.cmpi ne, %convert_element_type3A_47, %cond3A_48 : i32
    scf.if %cond3A_49 {
      %dma_wait3A = arith.constant 0 : i32
      %dma_wait3A_70 = arith.constant 3 : i32
      %dma_wait3A_71 = arith.constant 3 : i32
      %dma_wait3A_72 = arith.constant 0 : i32
      %dma_wait3A_73 = tpu.memref_slice %arg4[%dma_wait3A_70, %dma_wait3A_72] : memref<4x16384xf32, #tpu.memory_space<vmem>> -> memref<1x16384xf32, #tpu.memory_space<vmem>>
      %dma_wait3A_74 = tpu.memref_squeeze %dma_wait3A_73 : memref<1x16384xf32, #tpu.memory_space<vmem>> -> memref<16384xf32, #tpu.memory_space<vmem>>
      %dma_wait3A_75 = arith.constant 0 : i32
      %dma_wait3A_76 = tpu.memref_slice %arg2[%dma_wait3A, %dma_wait3A_75] : memref<100x16384xf32, #tpu.memory_space<hbm>> -> memref<1x16384xf32, #tpu.memory_space<hbm>>
      %dma_wait3A_77 = tpu.memref_squeeze %dma_wait3A_76 : memref<1x16384xf32, #tpu.memory_space<hbm>> -> memref<16384xf32, #tpu.memory_space<hbm>>
      %dma_wait3A_78 = tpu.memref_slice %arg5[%dma_wait3A_71] : memref<4x!tpu.dma_semaphore, #tpu.memory_space<semaphore_mem>> -> memref<1x!tpu.dma_semaphore, #tpu.memory_space<semaphore_mem>>
      %dma_wait3A_79 = tpu.memref_squeeze %dma_wait3A_78 : memref<1x!tpu.dma_semaphore, #tpu.memory_space<semaphore_mem>> -> memref<!tpu.dma_semaphore, #tpu.memory_space<semaphore_mem>>
      %dma_wait3A_80 = arith.constant 0 : i32
      %dma_wait3A_81 = tpu.memref_slice %arg4[%dma_wait3A_70, %dma_wait3A_80] : memref<4x16384xf32, #tpu.memory_space<vmem>> -> memref<1x16384xf32, #tpu.memory_space<vmem>>
      %dma_wait3A_82 = tpu.memref_squeeze %dma_wait3A_81 : memref<1x16384xf32, #tpu.memory_space<vmem>> -> memref<16384xf32, #tpu.memory_space<vmem>>
      %dma_wait3A_83 = arith.constant 0 : i32
      %dma_wait3A_84 = tpu.memref_slice %arg2[%dma_wait3A, %dma_wait3A_83] : memref<100x16384xf32, #tpu.memory_space<hbm>> -> memref<1x16384xf32, #tpu.memory_space<hbm>>
      %dma_wait3A_85 = tpu.memref_squeeze %dma_wait3A_84 : memref<1x16384xf32, #tpu.memory_space<hbm>> -> memref<16384xf32, #tpu.memory_space<hbm>>
      tpu.wait_dma2 semaphore(%dma_wait3A_79 : memref<!tpu.dma_semaphore, #tpu.memory_space<semaphore_mem>>) src(%dma_wait3A_85 : memref<16384xf32, #tpu.memory_space<hbm>>) dst(%dma_wait3A_82 : memref<16384xf32, #tpu.memory_space<vmem>>)
      %add3A_86 = arith.constant 3 : i32
      %add3A_87 = arith.addi %select_n3A_12, %add3A_86 : i32
      %dma_start3A = arith.constant 3 : i32
      %dma_start3A_88 = arith.constant 0 : i32
      %dma_start3A_89 = arith.constant 3 : i32
      %dma_start3A_90 = arith.constant 0 : i32
      %dma_start3A_91 = tpu.memref_slice %arg4[%dma_start3A, %dma_start3A_90] : memref<4x16384xf32, #tpu.memory_space<vmem>> -> memref<1x16384xf32, #tpu.memory_space<vmem>>
      %dma_start3A_92 = tpu.memref_squeeze %dma_start3A_91 : memref<1x16384xf32, #tpu.memory_space<vmem>> -> memref<16384xf32, #tpu.memory_space<vmem>>
      %dma_start3A_93 = arith.constant 0 : i32
      %dma_start3A_94 = tpu.memref_slice %arg3[%add3A_87, %dma_start3A_88, %dma_start3A_93] : memref<100x1x16384xf32, #tpu.memory_space<hbm>> -> memref<1x1x16384xf32, #tpu.memory_space<hbm>>
      %dma_start3A_95 = tpu.memref_squeeze %dma_start3A_94 : memref<1x1x16384xf32, #tpu.memory_space<hbm>> -> memref<16384xf32, #tpu.memory_space<hbm>>
      %dma_start3A_96 = tpu.memref_slice %arg6[%dma_start3A_89] : memref<4x!tpu.dma_semaphore, #tpu.memory_space<semaphore_mem>> -> memref<1x!tpu.dma_semaphore, #tpu.memory_space<semaphore_mem>>
      %dma_start3A_97 = tpu.memref_squeeze %dma_start3A_96 : memref<1x!tpu.dma_semaphore, #tpu.memory_space<semaphore_mem>> -> memref<!tpu.dma_semaphore, #tpu.memory_space<semaphore_mem>>
      %dma_start3A_98 = arith.constant 0 : i32
      %dma_start3A_99 = tpu.memref_slice %arg3[%add3A_87, %dma_start3A_88, %dma_start3A_98] : memref<100x1x16384xf32, #tpu.memory_space<hbm>> -> memref<1x1x16384xf32, #tpu.memory_space<hbm>>
      %dma_start3A_100 = tpu.memref_squeeze %dma_start3A_99 : memref<1x1x16384xf32, #tpu.memory_space<hbm>> -> memref<16384xf32, #tpu.memory_space<hbm>>
      %dma_start3A_101 = arith.constant 0 : i32
      %dma_start3A_102 = tpu.memref_slice %arg4[%dma_start3A, %dma_start3A_101] : memref<4x16384xf32, #tpu.memory_space<vmem>> -> memref<1x16384xf32, #tpu.memory_space<vmem>>
      %dma_start3A_103 = tpu.memref_squeeze %dma_start3A_102 : memref<1x16384xf32, #tpu.memory_space<vmem>> -> memref<16384xf32, #tpu.memory_space<vmem>>
      tpu.enqueue_dma source(%dma_start3A_103 : memref<16384xf32, #tpu.memory_space<vmem>>) target(%dma_start3A_100 : memref<16384xf32, #tpu.memory_space<hbm>>) target_semaphore(%dma_start3A_97 : memref<!tpu.dma_semaphore, #tpu.memory_space<semaphore_mem>>)
    } else {
    }
    %gt3A_50 = arith.constant 0 : i32
    %gt3A_51 = arith.cmpi sgt, %select_n3A, %gt3A_50 : i32
    %convert_element_type3A_52 = arith.extui %gt3A_51 : i1 to i32
    %cond3A_53 = arith.constant 0 : i32
    %cond3A_54 = arith.cmpi ne, %convert_element_type3A_52, %cond3A_53 : i32
    scf.if %cond3A_54 {
      %dma_wait3A = arith.constant 0 : i32
      %dma_wait3A_70 = arith.constant 0 : i32
      %dma_wait3A_71 = arith.constant 0 : i32
      %dma_wait3A_72 = arith.constant 0 : i32
      %dma_wait3A_73 = arith.constant 0 : i32
      %dma_wait3A_74 = tpu.memref_slice %arg4[%dma_wait3A, %dma_wait3A_73] : memref<4x16384xf32, #tpu.memory_space<vmem>> -> memref<1x16384xf32, #tpu.memory_space<vmem>>
      %dma_wait3A_75 = tpu.memref_squeeze %dma_wait3A_74 : memref<1x16384xf32, #tpu.memory_space<vmem>> -> memref<16384xf32, #tpu.memory_space<vmem>>
      %dma_wait3A_76 = arith.constant 0 : i32
      %dma_wait3A_77 = tpu.memref_slice %arg3[%dma_wait3A_70, %dma_wait3A_71, %dma_wait3A_76] : memref<100x1x16384xf32, #tpu.memory_space<hbm>> -> memref<1x1x16384xf32, #tpu.memory_space<hbm>>
      %dma_wait3A_78 = tpu.memref_squeeze %dma_wait3A_77 : memref<1x1x16384xf32, #tpu.memory_space<hbm>> -> memref<16384xf32, #tpu.memory_space<hbm>>
      %dma_wait3A_79 = tpu.memref_slice %arg6[%dma_wait3A_72] : memref<4x!tpu.dma_semaphore, #tpu.memory_space<semaphore_mem>> -> memref<1x!tpu.dma_semaphore, #tpu.memory_space<semaphore_mem>>
      %dma_wait3A_80 = tpu.memref_squeeze %dma_wait3A_79 : memref<1x!tpu.dma_semaphore, #tpu.memory_space<semaphore_mem>> -> memref<!tpu.dma_semaphore, #tpu.memory_space<semaphore_mem>>
      %dma_wait3A_81 = arith.constant 0 : i32
      %dma_wait3A_82 = tpu.memref_slice %arg3[%dma_wait3A_70, %dma_wait3A_71, %dma_wait3A_81] : memref<100x1x16384xf32, #tpu.memory_space<hbm>> -> memref<1x1x16384xf32, #tpu.memory_space<hbm>>
      %dma_wait3A_83 = tpu.memref_squeeze %dma_wait3A_82 : memref<1x1x16384xf32, #tpu.memory_space<hbm>> -> memref<16384xf32, #tpu.memory_space<hbm>>
      %dma_wait3A_84 = arith.constant 0 : i32
      %dma_wait3A_85 = tpu.memref_slice %arg4[%dma_wait3A, %dma_wait3A_84] : memref<4x16384xf32, #tpu.memory_space<vmem>> -> memref<1x16384xf32, #tpu.memory_space<vmem>>
      %dma_wait3A_86 = tpu.memref_squeeze %dma_wait3A_85 : memref<1x16384xf32, #tpu.memory_space<vmem>> -> memref<16384xf32, #tpu.memory_space<vmem>>
      tpu.wait_dma2 semaphore(%dma_wait3A_80 : memref<!tpu.dma_semaphore, #tpu.memory_space<semaphore_mem>>) src(%dma_wait3A_86 : memref<16384xf32, #tpu.memory_space<vmem>>) dst(%dma_wait3A_83 : memref<16384xf32, #tpu.memory_space<hbm>>)
    } else {
    }
    %gt3A_55 = arith.constant 1 : i32
    %gt3A_56 = arith.cmpi sgt, %select_n3A, %gt3A_55 : i32
    %convert_element_type3A_57 = arith.extui %gt3A_56 : i1 to i32
    %cond3A_58 = arith.constant 0 : i32
    %cond3A_59 = arith.cmpi ne, %convert_element_type3A_57, %cond3A_58 : i32
    scf.if %cond3A_59 {
      %dma_wait3A = arith.constant 1 : i32
      %dma_wait3A_70 = arith.constant 0 : i32
      %dma_wait3A_71 = arith.constant 0 : i32
      %dma_wait3A_72 = arith.constant 1 : i32
      %dma_wait3A_73 = arith.constant 0 : i32
      %dma_wait3A_74 = tpu.memref_slice %arg4[%dma_wait3A, %dma_wait3A_73] : memref<4x16384xf32, #tpu.memory_space<vmem>> -> memref<1x16384xf32, #tpu.memory_space<vmem>>
      %dma_wait3A_75 = tpu.memref_squeeze %dma_wait3A_74 : memref<1x16384xf32, #tpu.memory_space<vmem>> -> memref<16384xf32, #tpu.memory_space<vmem>>
      %dma_wait3A_76 = arith.constant 0 : i32
      %dma_wait3A_77 = tpu.memref_slice %arg3[%dma_wait3A_70, %dma_wait3A_71, %dma_wait3A_76] : memref<100x1x16384xf32, #tpu.memory_space<hbm>> -> memref<1x1x16384xf32, #tpu.memory_space<hbm>>
      %dma_wait3A_78 = tpu.memref_squeeze %dma_wait3A_77 : memref<1x1x16384xf32, #tpu.memory_space<hbm>> -> memref<16384xf32, #tpu.memory_space<hbm>>
      %dma_wait3A_79 = tpu.memref_slice %arg6[%dma_wait3A_72] : memref<4x!tpu.dma_semaphore, #tpu.memory_space<semaphore_mem>> -> memref<1x!tpu.dma_semaphore, #tpu.memory_space<semaphore_mem>>
      %dma_wait3A_80 = tpu.memref_squeeze %dma_wait3A_79 : memref<1x!tpu.dma_semaphore, #tpu.memory_space<semaphore_mem>> -> memref<!tpu.dma_semaphore, #tpu.memory_space<semaphore_mem>>
      %dma_wait3A_81 = arith.constant 0 : i32
      %dma_wait3A_82 = tpu.memref_slice %arg3[%dma_wait3A_70, %dma_wait3A_71, %dma_wait3A_81] : memref<100x1x16384xf32, #tpu.memory_space<hbm>> -> memref<1x1x16384xf32, #tpu.memory_space<hbm>>
      %dma_wait3A_83 = tpu.memref_squeeze %dma_wait3A_82 : memref<1x1x16384xf32, #tpu.memory_space<hbm>> -> memref<16384xf32, #tpu.memory_space<hbm>>
      %dma_wait3A_84 = arith.constant 0 : i32
      %dma_wait3A_85 = tpu.memref_slice %arg4[%dma_wait3A, %dma_wait3A_84] : memref<4x16384xf32, #tpu.memory_space<vmem>> -> memref<1x16384xf32, #tpu.memory_space<vmem>>
      %dma_wait3A_86 = tpu.memref_squeeze %dma_wait3A_85 : memref<1x16384xf32, #tpu.memory_space<vmem>> -> memref<16384xf32, #tpu.memory_space<vmem>>
      tpu.wait_dma2 semaphore(%dma_wait3A_80 : memref<!tpu.dma_semaphore, #tpu.memory_space<semaphore_mem>>) src(%dma_wait3A_86 : memref<16384xf32, #tpu.memory_space<vmem>>) dst(%dma_wait3A_83 : memref<16384xf32, #tpu.memory_space<hbm>>)
    } else {
    }
    %gt3A_60 = arith.constant 2 : i32
    %gt3A_61 = arith.cmpi sgt, %select_n3A, %gt3A_60 : i32
    %convert_element_type3A_62 = arith.extui %gt3A_61 : i1 to i32
    %cond3A_63 = arith.constant 0 : i32
    %cond3A_64 = arith.cmpi ne, %convert_element_type3A_62, %cond3A_63 : i32
    scf.if %cond3A_64 {
      %dma_wait3A = arith.constant 2 : i32
      %dma_wait3A_70 = arith.constant 0 : i32
      %dma_wait3A_71 = arith.constant 0 : i32
      %dma_wait3A_72 = arith.constant 2 : i32
      %dma_wait3A_73 = arith.constant 0 : i32
      %dma_wait3A_74 = tpu.memref_slice %arg4[%dma_wait3A, %dma_wait3A_73] : memref<4x16384xf32, #tpu.memory_space<vmem>> -> memref<1x16384xf32, #tpu.memory_space<vmem>>
      %dma_wait3A_75 = tpu.memref_squeeze %dma_wait3A_74 : memref<1x16384xf32, #tpu.memory_space<vmem>> -> memref<16384xf32, #tpu.memory_space<vmem>>
      %dma_wait3A_76 = arith.constant 0 : i32
      %dma_wait3A_77 = tpu.memref_slice %arg3[%dma_wait3A_70, %dma_wait3A_71, %dma_wait3A_76] : memref<100x1x16384xf32, #tpu.memory_space<hbm>> -> memref<1x1x16384xf32, #tpu.memory_space<hbm>>
      %dma_wait3A_78 = tpu.memref_squeeze %dma_wait3A_77 : memref<1x1x16384xf32, #tpu.memory_space<hbm>> -> memref<16384xf32, #tpu.memory_space<hbm>>
      %dma_wait3A_79 = tpu.memref_slice %arg6[%dma_wait3A_72] : memref<4x!tpu.dma_semaphore, #tpu.memory_space<semaphore_mem>> -> memref<1x!tpu.dma_semaphore, #tpu.memory_space<semaphore_mem>>
      %dma_wait3A_80 = tpu.memref_squeeze %dma_wait3A_79 : memref<1x!tpu.dma_semaphore, #tpu.memory_space<semaphore_mem>> -> memref<!tpu.dma_semaphore, #tpu.memory_space<semaphore_mem>>
      %dma_wait3A_81 = arith.constant 0 : i32
      %dma_wait3A_82 = tpu.memref_slice %arg3[%dma_wait3A_70, %dma_wait3A_71, %dma_wait3A_81] : memref<100x1x16384xf32, #tpu.memory_space<hbm>> -> memref<1x1x16384xf32, #tpu.memory_space<hbm>>
      %dma_wait3A_83 = tpu.memref_squeeze %dma_wait3A_82 : memref<1x1x16384xf32, #tpu.memory_space<hbm>> -> memref<16384xf32, #tpu.memory_space<hbm>>
      %dma_wait3A_84 = arith.constant 0 : i32
      %dma_wait3A_85 = tpu.memref_slice %arg4[%dma_wait3A, %dma_wait3A_84] : memref<4x16384xf32, #tpu.memory_space<vmem>> -> memref<1x16384xf32, #tpu.memory_space<vmem>>
      %dma_wait3A_86 = tpu.memref_squeeze %dma_wait3A_85 : memref<1x16384xf32, #tpu.memory_space<vmem>> -> memref<16384xf32, #tpu.memory_space<vmem>>
      tpu.wait_dma2 semaphore(%dma_wait3A_80 : memref<!tpu.dma_semaphore, #tpu.memory_space<semaphore_mem>>) src(%dma_wait3A_86 : memref<16384xf32, #tpu.memory_space<vmem>>) dst(%dma_wait3A_83 : memref<16384xf32, #tpu.memory_space<hbm>>)
    } else {
    }
    %gt3A_65 = arith.constant 3 : i32
    %gt3A_66 = arith.cmpi sgt, %select_n3A, %gt3A_65 : i32
    %convert_element_type3A_67 = arith.extui %gt3A_66 : i1 to i32
    %cond3A_68 = arith.constant 0 : i32
    %cond3A_69 = arith.cmpi ne, %convert_element_type3A_67, %cond3A_68 : i32
    scf.if %cond3A_69 {
      %dma_wait3A = arith.constant 3 : i32
      %dma_wait3A_70 = arith.constant 0 : i32
      %dma_wait3A_71 = arith.constant 0 : i32
      %dma_wait3A_72 = arith.constant 3 : i32
      %dma_wait3A_73 = arith.constant 0 : i32
      %dma_wait3A_74 = tpu.memref_slice %arg4[%dma_wait3A, %dma_wait3A_73] : memref<4x16384xf32, #tpu.memory_space<vmem>> -> memref<1x16384xf32, #tpu.memory_space<vmem>>
      %dma_wait3A_75 = tpu.memref_squeeze %dma_wait3A_74 : memref<1x16384xf32, #tpu.memory_space<vmem>> -> memref<16384xf32, #tpu.memory_space<vmem>>
      %dma_wait3A_76 = arith.constant 0 : i32
      %dma_wait3A_77 = tpu.memref_slice %arg3[%dma_wait3A_70, %dma_wait3A_71, %dma_wait3A_76] : memref<100x1x16384xf32, #tpu.memory_space<hbm>> -> memref<1x1x16384xf32, #tpu.memory_space<hbm>>
      %dma_wait3A_78 = tpu.memref_squeeze %dma_wait3A_77 : memref<1x1x16384xf32, #tpu.memory_space<hbm>> -> memref<16384xf32, #tpu.memory_space<hbm>>
      %dma_wait3A_79 = tpu.memref_slice %arg6[%dma_wait3A_72] : memref<4x!tpu.dma_semaphore, #tpu.memory_space<semaphore_mem>> -> memref<1x!tpu.dma_semaphore, #tpu.memory_space<semaphore_mem>>
      %dma_wait3A_80 = tpu.memref_squeeze %dma_wait3A_79 : memref<1x!tpu.dma_semaphore, #tpu.memory_space<semaphore_mem>> -> memref<!tpu.dma_semaphore, #tpu.memory_space<semaphore_mem>>
      %dma_wait3A_81 = arith.constant 0 : i32
      %dma_wait3A_82 = tpu.memref_slice %arg3[%dma_wait3A_70, %dma_wait3A_71, %dma_wait3A_81] : memref<100x1x16384xf32, #tpu.memory_space<hbm>> -> memref<1x1x16384xf32, #tpu.memory_space<hbm>>
      %dma_wait3A_83 = tpu.memref_squeeze %dma_wait3A_82 : memref<1x1x16384xf32, #tpu.memory_space<hbm>> -> memref<16384xf32, #tpu.memory_space<hbm>>
      %dma_wait3A_84 = arith.constant 0 : i32
      %dma_wait3A_85 = tpu.memref_slice %arg4[%dma_wait3A, %dma_wait3A_84] : memref<4x16384xf32, #tpu.memory_space<vmem>> -> memref<1x16384xf32, #tpu.memory_space<vmem>>
      %dma_wait3A_86 = tpu.memref_squeeze %dma_wait3A_85 : memref<1x16384xf32, #tpu.memory_space<vmem>> -> memref<16384xf32, #tpu.memory_space<vmem>>
      tpu.wait_dma2 semaphore(%dma_wait3A_80 : memref<!tpu.dma_semaphore, #tpu.memory_space<semaphore_mem>>) src(%dma_wait3A_86 : memref<16384xf32, #tpu.memory_space<vmem>>) dst(%dma_wait3A_83 : memref<16384xf32, #tpu.memory_space<hbm>>)
    } else {
    }
    return
  }
}

</mosaic_0001>

<sc_bundles>
// kernel: kernel.3.cloned.1.call-start
scs
__scs_entry_jumppad:
0x0: {  	(pc) =	sbr.rel $0x88, $3  }
0x1: {  	(tag) =	ssettag $0x0;
	lr =	simm.s32 $0x1  }
0x2: {  	[smem:$0x3FA0] =	sst lr;
	_ =	strace $0xD0000000  }
0x3: {  	_ = 	snop  }
0x4: {  	_ = 	snop  }
0x5: {  	_ = 	snop  }
0x6: {  	_ = 	snop  }
0x7: {  	_ = 	snop  }
__scs_overlays_trampoline_lowered:
0x8: {  	[smem:$0x3FAF] =	sst s0  }
0x9: {  	[smem:$0x3FB0] =	sst s1  }
0xa: {  	[smem:$0x3FB1] =	sst s2  }
0xb: {  	[smem:$0x3FB2] =	sst s3  }
0xc: {  	[smem:$0x3FB3] =	sst s4  }
0xd: {  	[smem:$0x3FB4] =	sst s5  }
0xe: {  	[smem:$0x3FB5] =	sst s6  }
0xf: {  	[smem:$0x3FB6] =	sst s7  }
0x10: {  	[smem:$0x3FB7] =	sst s8  }
0x11: {  	[smem:$0x3FB8] =	sst s9;
	s0 =	simm.s32 @!p0 $0x0  }
0x12: {  	s1 =	sld [smem:$0x3F9E];
	s0 =	simm.s32 @p0 $0x1  }
0x13: {  	[smem:$0x3FB9] =	sst s0;
	s0 =	simm.s32 @!p1 $0x0  }
0x14: {  	s2 =	sld [smem:$0x3F9D];
	s0 =	simm.s32 @p1 $0x1  }
0x15: {  	[smem:$0x3FBA] =	sst s0;
	s0 =	simm.s32 @!p2 $0x0  }
0x16: {  	s3 =	sld [smem:$0x3FDB];
	s0 =	simm.s32 @p2 $0x1  }
0x17: {  	s4 =	simm.s32 $0x1BF5;
	[smem:$0x3FBC] =	sst s0  }
0x18: {  	s0 =	sld [smem:$0x3F9F];
	_ =	swait.ge [sflag:s4], $0x0  }
0x19: {  	s7 =	sld [smem:$0x3FA0]  }
0x1a: {  	s8 =	sadd.s32 $0xFFFFE003, lr  }
0x1b: {  	s9 =	sadd.s32 $0xFFFFFEF7, lr;
	s5 =	simm.s32 $0xFFFFFFFF;
	p2 =	slt.u32 s8, $0xFFFFF086  }
0x1c: {  	p1 =	slt.u32 s9, $0xF7A;
	s5 =	simm.s32 @!p2 $0x0  }
0x1d: {  	s5 =	simm.s32 @p1 $0x1;
	p0 =	seq.s32 s7, s2  }
0x1e: {  	s7 =	smul.u32 @!p0 $0xF7A, s2;
	p2 =	seq.s32 @!p0 s5, $0x0  }
0x1f: {  	s9 =	smul.u32 $0xF7A, s1;
	s8 =	simm.s32 @!p0 $0x1BF5;
	p2 =	por !p2, p0  }
0x20: {  	[sflag:s8] =	ssyncset.s32 @!p0 $0xFFFFF086;
	s6 =	sadd.s32 @!p0 s3, s7;
	s7 =	simm.s32 @!p0 $0x108  }
0x21: {  	s3 =	sadd.s32 s3, s9;
	s6 =	sadd.s32 @!p0 $0x88, s6;
	s7 =	simm.s32 @p2 $0x1082  }
0x22: {  	[simem:s7], [sflag:s8] =	dma.local @!p0 [hbm:s6], $0xF7A  }
0x23: {  	s9 =	sor.u32 $0xD0000000, s2;
	s6 =	simm.s32 $0x108;
	_ =	swait.ge @!p0 [sflag:s8], $0x0  }
0x24: {  	s3 =	sadd.s32 $0x88, s3;
	s6 =	simm.s32 @!p1 $0x1082;
	[sflag:s4] =	ssyncset.s32 $0xFFFFF086  }
0x25: {  	[simem:s6], [sflag:s4] =	dma.local [hbm:s3], $0xF7A  }
0x26: {  	[smem:$0x3FA0] =	sst s1;
	(tag) =	ssettag s2;
	_ =	strace s9  }
0x27: {  	s1 =	sld [smem:$0x3FB0]  }
0x28: {  	s2 =	sld [smem:$0x3FB1]  }
0x29: {  	s4 =	sld [smem:$0x3FB3]  }
0x2a: {  	p0 =	seq.s32 s5, $0x0;
	s5 =	sld [smem:$0x3FB4]  }
0x2b: {  	s6 =	sld [smem:$0x3FB5]  }
0x2c: {  	s7 =	sld [smem:$0x3FB6]  }
0x2d: {  	s3 =	simm.s32 $0x108;
	s8 =	sld [smem:$0x3FB7]  }
0x2e: {  	s3 =	simm.s32 @!p0 $0x1082;
	s9 =	sld [smem:$0x3FB8]  }
0x2f: {  	lr =	sadd.s32 s0, s3;
	s0 =	sld [smem:$0x3FAF]  }
0x30: {  	s3 =	sld [smem:$0x3FB2]  }
0x31: {  	[smem:$0x3FBB] =	sst s10  }
0x32: {  	s10 =	sld [smem:$0x3FB9];
	_ =	sdelay $0x3  }
0x33: {  	p0 =	seq.s32 s10, $0x1;
	s10 =	sld [smem:$0x3FBB];
	_ =	sdelay $0x3  }
0x34: {  	[smem:$0x3FBB] =	sst s10  }
0x35: {  	s10 =	sld [smem:$0x3FBA];
	_ =	sdelay $0x3  }
0x36: {  	p1 =	seq.s32 s10, $0x1;
	s10 =	sld [smem:$0x3FBB];
	_ =	sdelay $0x3  }
0x37: {  	[smem:$0x3FBB] =	sst s10  }
0x38: {  	s10 =	sld [smem:$0x3FBC]  }
0x39: {  	_ = 	snop;
	(pc) =	sbr.ind lr, $3  }
0x3a: {  	_ = 	snop  }
0x3b: {  	_ = 	snop  }
0x3c: {  	p2 =	seq.s32 s10, $0x1;
	s10 =	sld [smem:$0x3FBB]  }
0x3d: {  	_ =	shalt  }
0x3e: {  	_ =	shalt  }
0x3f: {  	_ =	shalt  }
0x40: {  	_ =	shalt  }
0x41: {  	_ =	shalt  }
0x42: {  	_ =	shalt  }
0x43: {  	_ =	shalt  }
0x44: {  	_ =	shalt  }
0x45: {  	_ =	shalt  }
0x46: {  	_ =	shalt  }
0x47: {  	_ =	shalt  }
0x48: {  	_ =	shalt  }
0x49: {  	_ =	shalt  }
0x4a: {  	_ =	shalt  }
0x4b: {  	_ =	shalt  }
0x4c: {  	_ =	shalt  }
0x4d: {  	_ =	shalt  }
0x4e: {  	_ =	shalt  }
0x4f: {  	_ =	shalt  }
0x50: {  	_ =	shalt  }
0x51: {  	_ =	shalt  }
0x52: {  	_ =	shalt  }
0x53: {  	_ =	shalt  }
0x54: {  	_ =	shalt  }
0x55: {  	_ =	shalt  }
0x56: {  	_ =	shalt  }
0x57: {  	_ =	shalt  }
0x58: {  	_ =	shalt  }
0x59: {  	_ =	shalt  }
0x5a: {  	_ =	shalt  }
0x5b: {  	_ =	shalt  }
0x5c: {  	_ =	shalt  }
0x5d: {  	_ =	shalt  }
0x5e: {  	_ =	shalt  }
0x5f: {  	_ =	shalt  }
0x60: {  	_ =	shalt  }
0x61: {  	_ =	shalt  }
0x62: {  	_ =	shalt  }
0x63: {  	_ =	shalt  }
0x64: {  	_ =	shalt  }
0x65: {  	_ =	shalt  }
0x66: {  	_ =	shalt  }
0x67: {  	_ =	shalt  }
0x68: {  	_ =	shalt  }
0x69: {  	_ =	shalt  }
0x6a: {  	_ =	shalt  }
0x6b: {  	_ =	shalt  }
0x6c: {  	_ =	shalt  }
0x6d: {  	_ =	shalt  }
0x6e: {  	_ =	shalt  }
0x6f: {  	_ =	shalt  }
0x70: {  	_ =	shalt  }
0x71: {  	_ =	shalt  }
0x72: {  	_ =	shalt  }
0x73: {  	_ =	shalt  }
0x74: {  	_ =	shalt  }
0x75: {  	_ =	shalt  }
0x76: {  	_ =	shalt  }
0x77: {  	_ =	shalt  }
0x78: {  	_ =	shalt  }
0x79: {  	_ =	shalt  }
0x7a: {  	_ =	shalt  }
0x7b: {  	_ =	shalt  }
0x7c: {  	_ =	shalt  }
0x7d: {  	_ =	shalt  }
0x7e: {  	_ =	shalt  }
0x7f: {  	_ =	shalt  }
0x80: {  	_ =	shalt  }
0x81: {  	_ =	shalt  }
0x82: {  	_ =	shalt  }
0x83: {  	_ =	shalt  }
0x84: {  	_ =	shalt  }
0x85: {  	_ =	shalt  }
0x86: {  	_ =	shalt  }
0x87: {  	_ =	shalt  }
.Lfunc_end0:
.L_simem_size_0:
called_computation_lowered:
.L_overlay_start_0:
0x88: {  	s2 =	sld [smem:$0x3FD9]  }
0x89: {  	s3 =	sld [smem:$0x3FFE];
	_ =	sdelay $0x1  }
0x8a: {  	s1 =	srdreg.scid  }
0x8b: {  	s0 =	sand.u32 $0x1, s1  }
0x8c: {  	s18 =	sshll.u32 s0, $0xA;
	s2 =	sadd.s32 s3, s2  }
0x8d: {  	s2 =	sadd.s32 s2, s18  }
0x8e: {  	[smem:$0x3FC7] =	sst s2  }
0x8f: {  	_ = 	snop  }
0x90: {  	s2 =	sld [smem:$0x3FC9]  }
0x91: {  	s19 =	sld [smem:$0x3FD0];
	(tm) =	ssettm $0x1  }
0x92: {  	s4 =	sld [smem:$0x3FFB];
	_ =	sdelay $0x3  }
0x93: {  	_ =	strace s4  }
0x94: {  	s4 =	sld [smem:$0x3FFC];
	_ =	sdelay $0x3  }
0x95: {  	_ =	strace s4  }
0x96: {  	s4 =	sld [smem:$0x3FFD];
	_ =	sdelay $0x3  }
0x97: {  	_ =	strace s4  }
0x98: {  	_ =	strace $0x8FFFFFFF  }
0x99: {  	s20 =	sld [smem:$0x3FDB];
	_ =	sdelay $0x1  }
0x9a: {  	s5 =	simm.s32 $_scs_section_size  }
0x9b: {  	s6 =	simm.s32 $_size__tile_overlayer_lowered;
	s7 =	simm.s32 $_tile_overlayer_lowered  }
0x9c: {  	s23 =	simm.s32 $0x1BFF;
	s22 =	sshll.u32 s7, $0x1;
	s4 =	sadd.s32 s5, s20  }
0x9d: {  	s8 =	simm.s32 $0x0;
	s21 =	sshll.u32 s6, $0x1;
	s6 =	sadd.s32 s22, s4  }
0x9e: {  	[timem:s8], [sflag:s23] =	dma.local [hbm:s6], s21  }
0x9f: {  	_ =	swait.ge [sflag:s23], s21  }
0xa0: {  	s5 =	ssub.s32 $0x0, s21;
	[sflag:s23] =	ssyncset.done $0x0  }
0xa1: {  	[sflag:s23] =	ssyncadd.s32 s5;
	_ =	sdelay $0x1  }
0xa2: {  	s24 =	simm.s32 $0x1B8B  }
0xa3: {  	_ =	swait.ge [sflag:s24], $0x1  }
0xa4: {  	[sflag:s24] =	ssyncset.done $0x0  }
0xa5: {  	s25 =	simm.s32 $0x1B8E;
	[sflag:s24] =	ssyncadd.s32 $0xFFFFFFFF  }
0xa6: {  	s26 =	simm.s32 $execute0_lowered;
	[smem:$0x3FD2] =	sst s25  }
0xa7: {  	s5 =	sshll.u32 s26, $0x1;
	_ =	strace $0x80000046;
	[dreg:$0x1] =	wrdreg $0xFFFFFFFF  }
0xa8: {  	s28 =	simm.s32 $_size_execute0_lowered;
	s4 =	sadd.s32 s4, s5;
	[dreg:$0x0] =	wrdreg $0x0  }
0xa9: {  	s5 =	sshll.u32 s28, $0x1;
	[dreg:$0x2] =	wrdreg s4  }
0xaa: {  	[dreg:$0x3] =	wrdreg s5  }
0xab: {  	[dreg:$0x4] =	wrdreg $0xC0  }
0xac: {  	_ =	task [dreg:s8], $0x5FFFF  }
0xad: {  	[dreg:$0x1] =	wrdreg $0xFFFFFFFF  }
0xae: {  	[dreg:$0x0] =	wrdreg $0x60  }
0xaf: {  	[dreg:$0x2] =	wrdreg s2  }
0xb0: {  	[dreg:$0x3] =	wrdreg s19  }
0xb1: {  	[dreg:$0x4] =	wrdreg $0x9  }
0xb2: {  	_ =	task.clear_ibuf [dreg:s8], $0x5FFFF;
	_ =	strace $0x90000046  }
0xb3: {  	s29 =	simm.s32 $0x9;
	_ =	strace $0x80000048  }
0xb4: {  	_ =	swait.ge [sflag:s29], $0x1  }
0xb5: {  	[sflag:s29] =	ssyncadd.s32 $0xFFFFFFFF  }
0xb6: {  	_ =	strace $0x90000048  }
0xb7: {  	_ =	sfence  }
0xb8: {  	s30 =	sld [smem:$0x0];
	_ =	sdelay $0x2  }
0xb9: {  	s31 =	sshll.u32 s1, $0xD;
	s1 =	sshrl.u32 s1, $0x2  }
0xba: {  	s3 =	sand.u32 $0x4000, s31;
	s1 =	sadd.s32 s1, s30  }
0xbb: {  	s0 =	sor.u32 s3, s0;
	s1 =	sshll.u32 s1, $0x11  }
0xbc: {  	s0 =	sor.u32 s1, s0  }
0xbd: {  	s0 =	sadd.s32 $0x8F2B, s0  }
0xbe: {  	[sflag:s0] =	ssyncadd.remote.s32 $0x1  }
0xbf: {  	_ =	sfence.sel $0xFFFF  }
0xc0: {  	[dreg:$0x0] =	wrdreg $0xFFFFFFFF;
	(pc) =	sbr.abs _section_cstart, $3  }
0xc1: {  	[dreg:$0x1] =	wrdreg $0xFFFFFFFF  }
0xc2: {  	_ =	task.clear_ibuf [dreg:s8], $0x2FFFF;
	_ =	strace $0x9FFFFFFF  }
0xc3: {  	(tm) =	ssettm $0x7FFFFFFF  }
tec
execute0_lowered:
.L_overlay_start_1:
0x0: {  	(tag) =	ssettag $0x1  }
0x1: {  	s1 =	srdreg.scid;
	s0 =	stileid.u32  }
0x2: {  	s3 =	sand.u32 $0x1, s1;
	s24 =	sshll.u32 s0, $0x1  }
0x3: {  	s8 =	rddreg [dreg:$0x0];
	s1 =	sor.u32 s3, s24  }
0x4: {  	s9 =	rddreg [dreg:$0x1];
	s6 =	simm.s32 $0x2;
	s2 =	smul.u32 $0x3, s1  }
0x5: {  	s15 =	simm.s32 $0x3;
	s16 =	simm.s32 $0x5;
	p0 =	slt.u32 s0, $0x2  }
0x6: {  	s3 =	ssub.s32 $0x2, s3;
	s4 =	sshll.u32 s1, $0x2;
	s7 =	sadd.s32 $0x4, s2  }
0x7: {  	s17 =	simm.s32 $0x0;
	s25 =	sshrl.u32 s3, $0x1;
	s7 =	smov.u32 @p0 s4  }
0x8: {  	s1 =	rddreg [dreg:$0x2];
	s13 =	ssub.s32 s3, s25;
	s10 =	sshll.u32 s7, $0x1  }
0x9: {  	s2 =	simm.s32 $0x0;
	p0 =	slt.u32 s7, $0x32;
	s5 =	sadd.s32 $0xFFFFFF9D, s10  }
0xa: {  	[smem:$0x7FF] =	sst s2;
	s5 =	smov.u32 @p0 s10;
	p0 =	slt.u32 s7, $0x31  }
0xb: {  	s13 =	smax.u32 s13, $0x1;
	_ =	strace $0x80000047;
	s6 =	simm.s32 @!p0 $0xFFFFFF9F  }
0xc: {  	s26 =	sshll.u32 s5, $0xE;
	s28 =	sshll.u32 s5, $0x7;
	p0 =	slt.u32 s7, $0x30  }
0xd: {  	s7 =	sshll.u32 s7, $0xB;
	s29 =	sadd.s32 s10, s6;
	s3 =	sand.u32 $0xFFFE0000, s26  }
0xe: {  	s4 =	sand.u32 $0x380, s28;
	s31 =	sand.u32 $0x1FFFF800, s7;
	s6 =	sshll.u32 s29, $0xE  }
0xf: {  	s3 =	sor.u32 s4, s3;
	s5 =	sshll.u32 s29, $0x7;
	s9 =	sadd.s32 s9, s31  }
0x10: {  	s30 =	sand.u32 $0xFFFE0000, s6;
	s5 =	sand.u32 $0x380, s5;
	s6 =	simm.s32 $0x4  }
0x11: {  	s3 =	sshrl.u32 s3, $0x3;
	s4 =	sor.u32 s5, s30;
	s6 =	simm.s32 @!p0 $0xFFFFFFA1  }
0x12: {  	s3 =	sadd.s32 s8, s3;
	p0 =	sgt.u32 s0, $0x1;
	s5 =	sshrl.u32 s4, $0x3  }
0x13: {  	s11 =	sadd.s32 s10, s6;
	s4 =	simm.s32 $0x2;
	s6 =	simm.s32 $0x4  }
0x14: {  	s10 =	sadd.s32 $0x6, s10;
	s5 =	sadd.s32 s8, s5;
	s12 =	sshll.u32 s11, $0xE  }
0x15: {  	s11 =	sshll.u32 s11, $0x7;
	s14 =	sshll.u32 s10, $0xE;
	s10 =	sshll.u32 s10, $0x7  }
.Ltmp0:
0x16: {  	s12 =	sand.u32 $0xFFFE0000, s12;
	s11 =	sand.u32 $0x380, s11;
	(pc) =	sbr.rel .LBB2_1-.Ltmp0, $4  }
0x17: {  	s14 =	sand.u32 $0x7FFE0000, s14;
	s10 =	sand.u32 $0x300, s10;
	s11 =	sor.u32 s11, s12  }
0x18: {  	s10 =	sor.u32 s10, s14;
	s12 =	sadd.s32 $0x1800, s9;
	s11 =	sshrl.u32 s11, $0x3  }
0x19: {  	s14 =	simm.s32 $0x1;
	s10 =	sshrl.u32 s10, $0x3;
	s7 =	sadd.s32 s8, s11  }
0x1a: {  	s8 =	sadd.s32 s8, s10;
	s10 =	sadd.s32 $0x800, s9;
	s11 =	sadd.s32 $0x1000, s9  }
.LBB2_18:
0x1b: {  	s18 =	simm.s32 $0x7;
	s19 =	simm.s32 $0x6;
	s20 =	simm.s32 $0x5  }
.LBB2_22:
0x1c: {  	_ =	swait.ge [sflag:s20], $0x4000  }
0x1d: {  	[sflag:s20] =	ssyncset.done $0x0  }
0x1e: {  	s17 =	sadd.s32 $0x1, s17;
	[sflag:s20] =	ssyncadd.s32 $0xFFFFC000  }
0x1f: {  	p1 =	sne.s32 s17, s13;
	_ =	swait.ge [sflag:s19], $0x4000  }
.Ltmp1:
0x20: {  	[sflag:s19] =	ssyncset.done $0x0;
	(pc) =	sbr.rel @!p1 .LBB2_23-.Ltmp1, $4  }
0x21: {  	[sflag:s19] =	ssyncadd.s32 $0xFFFFC000  }
0x22: {  	_ =	swait.ge [sflag:s18], $0x4000  }
0x23: {  	[sflag:s18] =	ssyncset.done $0x0  }
0x24: {  	[sflag:s18] =	ssyncadd.s32 $0xFFFFC000  }
.LBB2_1:
0x25: {  	s18 =	simm.s32 $0x80  }
0x26: {  	s21 =	sadd.s32 $0x0, s3;
	s19 =	simm.s32 $0x200;
	s20 =	simm.s32 $0x0  }
.LBB2_2:
0x27: {  	[tilespmem:s20], [sflag:$0x1] =	stream.linear.gather [hbm4b:s21+s2], $0x80, $0x38;
	[tilespmem:$0x10000] =	vst v63  }
0x28: {  	s21 =	smov.u32 s18;
	s20 =	smov.u32 s19;
	p1 =	sne.s32 s18, $0x3F80  }
.Ltmp2:
0x29: {  	s18 =	sadd.s32 $0x80, s18;
	(pc) =	sbr.rel @p1 .LBB2_2-.Ltmp2, $2  }
0x2a: {  	_ =	sdelay $0x2  }
0x2b: {  	s19 =	sadd.s32 $0x200, s19;
	s21 =	sadd.s32 s21, s3  }
0x2c: {  	[tilespmem:s20], [sflag:$0x1] =	stream.linear.gather [hbm4b:s21+s2], $0x80, $0x38;
	[tilespmem:$0x10000] =	vst v63  }
0x2d: {  	s18 =	simm.s32 $0x80  }
0x2e: {  	s19 =	simm.s32 $0x80;
	s21 =	sadd.s32 $0x0, s5;
	s20 =	simm.s32 $0x280  }
.LBB2_4:
0x2f: {  	[tilespmem:s18], [sflag:$0x2] =	stream.linear.gather [hbm4b:s21+s2], $0x80, $0x38;
	[tilespmem:$0x10000] =	vst v63  }
0x30: {  	s21 =	smov.u32 s19;
	s18 =	smov.u32 s20;
	p1 =	sne.s32 s19, $0x3F80  }
.Ltmp3:
0x31: {  	s19 =	sadd.s32 $0x80, s19;
	(pc) =	sbr.rel @p1 .LBB2_4-.Ltmp3, $2  }
0x32: {  	_ =	sdelay $0x2  }
0x33: {  	s20 =	sadd.s32 $0x200, s20;
	s21 =	sadd.s32 s21, s5  }
0x34: {  	[tilespmem:s18], [sflag:$0x2] =	stream.linear.gather [hbm4b:s21+s2], $0x80, $0x38;
	[tilespmem:$0x10000] =	vst v63  }
0x35: {  	s18 =	simm.s32 $0x100  }
0x36: {  	s19 =	simm.s32 $0x80;
	s21 =	sadd.s32 $0x0, s7;
	s20 =	simm.s32 $0x300  }
.LBB2_6:
0x37: {  	[tilespmem:s18], [sflag:$0x3] =	stream.linear.gather [hbm4b:s21+s2], $0x80, $0x38;
	[tilespmem:$0x10000] =	vst v63  }
0x38: {  	s21 =	smov.u32 s19;
	s18 =	smov.u32 s20;
	p1 =	sne.s32 s19, $0x3F80  }
.Ltmp4:
0x39: {  	s19 =	sadd.s32 $0x80, s19;
	(pc) =	sbr.rel @p1 .LBB2_6-.Ltmp4, $2  }
0x3a: {  	_ =	sdelay $0x2  }
0x3b: {  	s20 =	sadd.s32 $0x200, s20;
	s21 =	sadd.s32 s21, s7  }
.Ltmp5:
0x3c: {  	(pc) =	sbr.rel @p0 .LBB2_11-.Ltmp5, $2  }
0x3d: {  	_ =	sdelay $0x2  }
0x3e: {  	[tilespmem:s18], [sflag:$0x3] =	stream.linear.gather [hbm4b:s21+s2], $0x80, $0x38;
	[tilespmem:$0x10000] =	vst v63  }
0x3f: {  	s18 =	simm.s32 $0x180  }
0x40: {  	s19 =	simm.s32 $0x80;
	s21 =	sadd.s32 $0x0, s8;
	s20 =	simm.s32 $0x380  }
.LBB2_9:
0x41: {  	[tilespmem:s18], [sflag:$0x4] =	stream.linear.gather [hbm4b:s21+s2], $0x80, $0x38;
	[tilespmem:$0x10000] =	vst v63  }
0x42: {  	s21 =	smov.u32 s19;
	s18 =	smov.u32 s20;
	p1 =	sne.s32 s19, $0x3F80  }
.Ltmp6:
0x43: {  	s19 =	sadd.s32 $0x80, s19;
	(pc) =	sbr.rel @p1 .LBB2_9-.Ltmp6, $2  }
0x44: {  	_ =	sdelay $0x2  }
0x45: {  	s20 =	sadd.s32 $0x200, s20;
	s21 =	sadd.s32 s21, s8  }
0x46: {  	[tilespmem:s18], [sflag:$0x4] =	stream.linear.gather [hbm4b:s21+s2], $0x80, $0x38;
	[tilespmem:$0x10000] =	vst v63  }
.LBB2_11:
0x47: {  	_ =	swait.ge [sflag:s14], $0x4000  }
0x48: {  	s18 =	simm.s32 $0x0;
	s19 =	simm.s32 $0x10;
	[sflag:s14] =	ssyncset.done $0x0  }
0x49: {  	s21 =	sadd.s32 $0x0, s9;
	s20 =	simm.s32 $0x200;
	[sflag:s14] =	ssyncadd.s32 $0xFFFFC000  }
.LBB2_12:
0x4a: {  	[hbm4b:s21+s2] =	stream.linear.scatter [tilespmem:s18], [sflag:$0x5], $0x80, $0x38;
	[tilespmem:$0x10000] =	vst v63  }
0x4b: {  	s21 =	smov.u32 s19;
	s18 =	smov.u32 s20;
	p1 =	sne.s32 s19, $0x7F0  }
.Ltmp7:
0x4c: {  	s19 =	sadd.s32 $0x10, s19;
	(pc) =	sbr.rel @p1 .LBB2_12-.Ltmp7, $2  }
0x4d: {  	_ =	sdelay $0x2  }
0x4e: {  	s20 =	sadd.s32 $0x200, s20;
	s21 =	sadd.s32 s21, s9  }
0x4f: {  	[hbm4b:s21+s2] =	stream.linear.scatter [tilespmem:s18], [sflag:$0x5], $0x80, $0x38;
	[tilespmem:$0x10000] =	vst v63  }
0x50: {  	_ =	swait.ge [sflag:s4], $0x4000  }
0x51: {  	s18 =	simm.s32 $0x80;
	s19 =	simm.s32 $0x10;
	[sflag:s4] =	ssyncset.done $0x0  }
0x52: {  	s21 =	sadd.s32 $0x0, s10;
	s20 =	simm.s32 $0x280;
	[sflag:s4] =	ssyncadd.s32 $0xFFFFC000  }
.LBB2_14:
0x53: {  	[hbm4b:s21+s2] =	stream.linear.scatter [tilespmem:s18], [sflag:$0x6], $0x80, $0x38;
	[tilespmem:$0x10000] =	vst v63  }
0x54: {  	s21 =	smov.u32 s19;
	s18 =	smov.u32 s20;
	p1 =	sne.s32 s19, $0x7F0  }
.Ltmp8:
0x55: {  	s19 =	sadd.s32 $0x10, s19;
	(pc) =	sbr.rel @p1 .LBB2_14-.Ltmp8, $2  }
0x56: {  	_ =	sdelay $0x2  }
0x57: {  	s20 =	sadd.s32 $0x200, s20;
	s21 =	sadd.s32 s21, s10  }
0x58: {  	[hbm4b:s21+s2] =	stream.linear.scatter [tilespmem:s18], [sflag:$0x6], $0x80, $0x38;
	[tilespmem:$0x10000] =	vst v63  }
0x59: {  	_ =	swait.ge [sflag:s15], $0x4000  }
0x5a: {  	s18 =	simm.s32 $0x100;
	s19 =	simm.s32 $0x10;
	[sflag:s15] =	ssyncset.done $0x0  }
0x5b: {  	s21 =	sadd.s32 $0x0, s11;
	s20 =	simm.s32 $0x300;
	[sflag:s15] =	ssyncadd.s32 $0xFFFFC000  }
.LBB2_16:
0x5c: {  	[hbm4b:s21+s2] =	stream.linear.scatter [tilespmem:s18], [sflag:$0x7], $0x80, $0x38;
	[tilespmem:$0x10000] =	vst v63  }
0x5d: {  	s21 =	smov.u32 s19;
	s18 =	smov.u32 s20;
	p1 =	sne.s32 s19, $0x7F0  }
.Ltmp9:
0x5e: {  	s19 =	sadd.s32 $0x10, s19;
	(pc) =	sbr.rel @p1 .LBB2_16-.Ltmp9, $2  }
0x5f: {  	_ =	sdelay $0x2  }
0x60: {  	s20 =	sadd.s32 $0x200, s20;
	s21 =	sadd.s32 s21, s11  }
.Ltmp10:
0x61: {  	(pc) =	sbr.rel @p0 .LBB2_18-.Ltmp10, $2  }
0x62: {  	_ =	sdelay $0x2  }
0x63: {  	[hbm4b:s21+s2] =	stream.linear.scatter [tilespmem:s18], [sflag:$0x7], $0x80, $0x38;
	[tilespmem:$0x10000] =	vst v63  }
0x64: {  	_ =	swait.ge [sflag:s6], $0x4000  }
0x65: {  	s18 =	simm.s32 $0x180;
	s19 =	simm.s32 $0x10;
	[sflag:s6] =	ssyncset.done $0x0  }
0x66: {  	s21 =	sadd.s32 $0x0, s12;
	s20 =	simm.s32 $0x380;
	[sflag:s6] =	ssyncadd.s32 $0xFFFFC000  }
.LBB2_20:
0x67: {  	[hbm4b:s21+s2] =	stream.linear.scatter [tilespmem:s18], [sflag:$0x8], $0x80, $0x38;
	[tilespmem:$0x10000] =	vst v63  }
0x68: {  	s21 =	smov.u32 s19;
	s18 =	smov.u32 s20;
	p1 =	sne.s32 s19, $0x7F0  }
.Ltmp11:
0x69: {  	s19 =	sadd.s32 $0x10, s19;
	(pc) =	sbr.rel @p1 .LBB2_20-.Ltmp11, $2  }
0x6a: {  	_ =	sdelay $0x2  }
0x6b: {  	s20 =	sadd.s32 $0x200, s20;
	s21 =	sadd.s32 s21, s12  }
.Ltmp12:
0x6c: {  	(pc) =	sbr.rel .LBB2_22-.Ltmp12, $4  }
0x6d: {  	[hbm4b:s21+s2] =	stream.linear.scatter [tilespmem:s18], [sflag:$0x8], $0x80, $0x38;
	[tilespmem:$0x10000] =	vst v63  }
0x6e: {  	_ =	swait.ge [sflag:s16], $0x4000  }
0x6f: {  	s18 =	simm.s32 $0x8;
	[sflag:s16] =	ssyncset.done $0x0  }
0x70: {  	s19 =	simm.s32 $0x7;
	s20 =	simm.s32 $0x6;
	[sflag:s16] =	ssyncadd.s32 $0xFFFFC000  }
.LBB2_23:
0x71: {  	_ =	sfence.sel $0x180000  }
0x72: {  	[bflag:$0x0] =	sbarrier.arrive $0xFFFF  }
0x73: {  	p0 =	sne.s32 s0, $0x0;
	_ =	strace $0x90000047  }
0x74: {  	s0 =	sadd.s32 @!p0 $0x100000, s1;
	[bflag:$0x2] =	sbarrier.arrive $0xFFFF  }
0x75: {  	[sflag:s0] =	ssyncadd.tile.s32 @!p0 $0x1;
	_ =	shalt  }
.Lfunc_end2:
_tile_overlayer_lowered:
.L_overlay_start_2:
0x76: {  	(tag) =	ssettag $0x2  }
0x77: {  	s0 =	rddreg [dreg:$0x0];
	s2 =	stileid.u32  }
0x78: {  	s1 =	rddreg [dreg:$0x1];
	p0 =	sne.s32 s2, $0x0  }
0x79: {  	s3 =	rddreg [dreg:$0x2];
	[bflag:$0x3] =	sbarrier.arrive $0xFFFF;
	s2 =	simm.s32 @!p0 $0x1C09  }
0x7a: {  	[timem:s3], [sflag:s2] =	dma.local @!p0 [hbm:s0], s1  }
0x7b: {  	s0 =	simm.s32 @!p0 $0x9  }
0x7c: {  	_ =	swait.ge @!p0 [sflag:s0], s1  }
0x7d: {  	s1 =	ssub.s32 @!p0 $0x0, s1;
	[sflag:s0] =	ssyncset.done @!p0 $0x0  }
0x7e: {  	[sflag:s0] =	ssyncadd.s32 @!p0 s1  }
0x7f: {  	[bflag:$0x3] =	sbarrier.arrive $0xFFFF  }
0x80: {  	_ =	shalt  }

</sc_bundles>
